<compile_context>
chip_gen: v7x
topology: tpu7x:2x2x1
jax: 0.10.2.dev20260603
libtpu: 0.0.44.dev20260713+nightly
codegen_flags: <defaults>
</compile_context>

<pallas_src>
import functools

import jax
import jax.numpy as jnp
from jax import lax
from jax.experimental import pallas as pl
from jax.experimental.pallas import tpu as pltpu
from jax.experimental.pallas import tpu_sc as plsc

B = 4096
H = 200
L = 51
V = 1000000
U = 100000
D = 64

NC = 2
NS = 16
NW = NC * NS

N = B * H
PER_W = N // NW
CH = 640
NCHUNK = PER_W // CH


def _gather_body(idx_hbm, table_hbm, out_hbm,
                 idx_all, rows0, rows1, g0, g1, w0, w1):
    wid = lax.axis_index("s") * NC + lax.axis_index("c")
    base = pl.multiple_of(wid * PER_W, PER_W)
    pltpu.sync_copy(idx_hbm.at[pl.ds(base, PER_W)], idx_all)
    rows = (rows0, rows1)
    gsem = (g0, g1)
    wsem = (w0, w1)

    def pair(p, carry):
        for b in range(2):
            c = 2 * p + b
            off = pl.multiple_of(base + c * CH, CH)

            @pl.when(c >= 2)
            def _():
                pltpu.make_async_copy(
                    rows[b], out_hbm.at[pl.ds(off, CH), pl.ds(0, D)],
                    wsem[b]).wait()

            desc = pltpu.async_copy(
                table_hbm.at[idx_all.at[pl.ds(c * CH, CH)]], rows[b], gsem[b])
            desc.wait()
            pltpu.async_copy(
                rows[b], out_hbm.at[pl.ds(off, CH), pl.ds(0, D)], wsem[b])
        return carry

    lax.fori_loop(0, NCHUNK // 2, pair, 0)
    for b in range(2):
        off = pl.multiple_of(base + (NCHUNK - 2 + b) * CH, CH)
        pltpu.make_async_copy(
            rows[b], out_hbm.at[pl.ds(off, CH), pl.ds(0, D)], wsem[b]).wait()


_gather = functools.partial(
    pl.kernel,
    out_type=jax.ShapeDtypeStruct((N, 2 * D), jnp.float32),
    mesh=plsc.VectorSubcoreMesh(core_axis_name="c", subcore_axis_name="s"),
    scratch_types=[
        pltpu.VMEM((PER_W,), jnp.int32),
        pltpu.VMEM((CH, D), jnp.float32),
        pltpu.VMEM((CH, D), jnp.float32),
        pltpu.SemaphoreType.DMA,
        pltpu.SemaphoreType.DMA,
        pltpu.SemaphoreType.DMA,
        pltpu.SemaphoreType.DMA,
    ],
    compiler_params=pltpu.CompilerParams(use_tc_tiling_on_sc=False),
)(_gather_body)


HB = 8



def _times_body(r1t_ref, tpad_ref, wt_ref, bt_ref, exp_ref, times_ref, sep_ref):
    t = jnp.log((tpad_ref[...] - r1t_ref[...]) + 1.0)
    times_ref[...] = (t[:, None, :] * wt_ref[...][None, :, :]
                      + bt_ref[...][None, :, :])
    sep_ref[...] = exp_ref[...]


_times = pl.pallas_call(
    _times_body,
    grid=(H // HB,),
    in_specs=[
        pl.BlockSpec((HB, B), lambda i: (i, 0)),
        pl.BlockSpec((1, B), lambda i: (0, 0)),
        pl.BlockSpec((D, 1), lambda i: (0, 0)),
        pl.BlockSpec((D, 1), lambda i: (0, 0)),
        pl.BlockSpec((1, D), lambda i: (0, 0)),
    ],
    out_specs=[
        pl.BlockSpec((HB, D, B), lambda i: (i, 0, 0)),
        pl.BlockSpec((1, D), lambda i: (0, 0)),
    ],
    out_shape=[
        jax.ShapeDtypeStruct((H, D, B), jnp.float32),
        jax.ShapeDtypeStruct((1, D), jnp.float32),
    ],
)


def kernel(row0, row1, row2, row3, row4, row5, row6, row7,
           click_emb, exposure_emb, uid_emb, fc_w, fc_b):
    idx = row0.astype(jnp.int32).reshape(N)
    high_items_emb = _gather(idx, click_emb)[:, :D].reshape(B, H, D)
    r1t = row1.T
    tpad_t = row6.T[L - 1:L, :]
    times_t, sep = _times(r1t, tpad_t, fc_w.reshape(D, 1),
                          fc_b.reshape(D, 1), exposure_emb[0:1])
    times = times_t.transpose(2, 0, 1)
    return (high_items_emb, times, sep.reshape(D))

# --- scband reference (transcript-rebuilt; emitter-appended) ---
"""Pipeline reference for scband-one-trans-emb-12060268167393 (READ-ONLY COPY).

The authoritative reference and input builder live on the scoring server;
editing this copy changes nothing except your own understanding.
"""

import jax, jax.numpy as jnp
import numpy as np

B = 4096
H = 200
L = 51
V = 1000000
U = 100000
D = 64

def setup_inputs(seed: int = 0) -> dict:
    key = jax.random.key(seed)
    ks = jax.random.split(key, 12)
    row0 = jax.random.randint(ks[0], (B, H), 0, V)
    row1 = jax.random.uniform(ks[1], (B, H), dtype=jnp.float32)
    row2 = jax.random.randint(ks[2], (B,), 0, H)
    row3 = jax.random.randint(ks[3], (B,), 0, U)
    row4 = jax.random.randint(ks[4], (B, L), 0, V)
    row5 = jax.random.uniform(ks[5], (B, L), dtype=jnp.float32)
    row6 = jnp.ones((B, L), dtype=jnp.float32)
    row7 = jax.random.randint(ks[6], (B,), 0, L - 1)
    click_emb = jax.random.normal(ks[7], (V, D), dtype=jnp.float32) * 0.02
    exposure_emb = jax.random.normal(ks[8], (V, D), dtype=jnp.float32) * 0.02
    uid_emb = jax.random.normal(ks[9], (U, D), dtype=jnp.float32) * 0.02
    fc_w = jax.random.normal(ks[10], (1, D), dtype=jnp.float32) * 0.1
    fc_b = jnp.zeros((D,), dtype=jnp.float32)
    return {"row0": row0, "row1": row1, "row2": row2, "row3": row3,
            "row4": row4, "row5": row5, "row6": row6, "row7": row7,
            "click_emb": click_emb, "exposure_emb": exposure_emb,
            "uid_emb": uid_emb, "fc_w": fc_w, "fc_b": fc_b}

def reference(row0, row1, row2, row3, row4, row5, row6, row7,
              click_emb, exposure_emb, uid_emb, fc_w, fc_b):
    # slicing per original forward
    item_id = row4[:, -1]
    item_rating = row5[:, -1]
    item_time_pad = row6[:, -1]
    seq_items_pad = row4[:, :-1]
    seq_ratings_pad = row5[:, :-1]
    seq_times_pad = row6[:, :-1]
    high_times_gap = item_time_pad[:, None] - row1
    seq_times_gap = item_time_pad[:, None] - seq_times_pad
    # embedding gathers (memory-bound)
    high_items_emb = jnp.take(click_emb, row0, axis=0)            # [B, H, D]
    t = jnp.log(high_times_gap + 1.0)[..., None]                  # [B, H, 1]
    high_times_emb = t @ fc_w + fc_b                              # [B, H, D]
    sep_emb = exposure_emb[0]                                     # [D]
    return (high_items_emb, high_times_emb, sep_emb)

if __name__ == "__main__":
    import jax
    _d = setup_inputs()
    print(jax.jit(kernel)(*tuple(_d.values())))

</pallas_src>

<mosaic_0001>
#map = affine_map<(d0, d1) -> (0)>
#map1 = affine_map<(d0, d1) -> (0, 0)>
module attributes {stable_mosaic.version = 14 : i64} {
  func.func @_gather_body(%arg0: i32, %arg1: i32, %arg2: memref<819200xi32, #tpu.memory_space<hbm>>, %arg3: memref<1000000x64xf32, #tpu.memory_space<hbm>>, %arg4: memref<819200x128xf32, #tpu.memory_space<hbm>>, %arg5: memref<25600xi32, #tpu.memory_space<vmem>>, %arg6: memref<640x64xf32, #tpu.memory_space<vmem>>, %arg7: memref<640x64xf32, #tpu.memory_space<vmem>>, %arg8: memref<!tpu.dma_semaphore, #tpu.memory_space<semaphore_mem>>, %arg9: memref<!tpu.dma_semaphore, #tpu.memory_space<semaphore_mem>>, %arg10: memref<!tpu.dma_semaphore, #tpu.memory_space<semaphore_mem>>, %arg11: memref<!tpu.dma_semaphore, #tpu.memory_space<semaphore_mem>>) attributes {dimension_semantics = [#tpu.dimension_semantics<core_parallel>, #tpu.dimension_semantics<subcore_parallel>], iteration_bounds = array<i64: 2, 16>, scalar_prefetch = 0 : i64, scratch_operands = 7 : i64, tpu.core_type = #tpu.core_type<sc_vector_subcore>, window_params = [{transform_indices = #map}, {transform_indices = #map1}, {transform_indices = #map1}]} {
    %mul3A = arith.constant 2 : i32
    %mul3A_0 = arith.muli %arg1, %mul3A : i32
    %add3A = arith.addi %mul3A_0, %arg0 : i32
    %mul3A_1 = arith.constant 25600 : i32
    %mul3A_2 = arith.muli %add3A, %mul3A_1 : i32
    %multiple_of3A = tpu.assume_multiple %mul3A_2, 25600 : i32
    "tpu.region"() ({
      %run_scoped3A = tpu.sem_alloc : memref<!tpu.dma_semaphore, #tpu.memory_space<semaphore_mem>>
      %dma_start3A = tpu.memref_slice %arg2[%multiple_of3A] : memref<819200xi32, #tpu.memory_space<hbm>> -> memref<25600xi32, #tpu.memory_space<hbm>>
      %dma_start3A_21 = tpu.memref_slice %arg2[%multiple_of3A] : memref<819200xi32, #tpu.memory_space<hbm>> -> memref<25600xi32, #tpu.memory_space<hbm>>
      tpu.enqueue_dma source(%dma_start3A_21 : memref<25600xi32, #tpu.memory_space<hbm>>) target(%arg5 : memref<25600xi32, #tpu.memory_space<vmem>>) target_semaphore(%run_scoped3A : memref<!tpu.dma_semaphore, #tpu.memory_space<semaphore_mem>>)
      %dma_wait3A_22 = tpu.memref_slice %arg2[%multiple_of3A] : memref<819200xi32, #tpu.memory_space<hbm>> -> memref<25600xi32, #tpu.memory_space<hbm>>
      %dma_wait3A_23 = tpu.memref_slice %arg2[%multiple_of3A] : memref<819200xi32, #tpu.memory_space<hbm>> -> memref<25600xi32, #tpu.memory_space<hbm>>
      tpu.wait_dma2 semaphore(%run_scoped3A : memref<!tpu.dma_semaphore, #tpu.memory_space<semaphore_mem>>) src(%dma_wait3A_23 : memref<25600xi32, #tpu.memory_space<hbm>>) dst(%arg5 : memref<25600xi32, #tpu.memory_space<vmem>>)
      tpu.yield
    }) : () -> ()
    %scan3A = arith.constant 0 : i32
    %scan3A_3 = arith.constant 0 : i32
    %scan3A_4 = arith.constant 20 : i32
    %scan3A_5 = arith.addi %scan3A_3, %scan3A_4 : i32
    %scan3A_6 = arith.constant 1 : i32
    scf.for %scan3A_21 = %scan3A_3 to %scan3A_5 step %scan3A_6  : i32 {
      %mul3A_22 = arith.constant 2 : i32
      %mul3A_23 = arith.muli %mul3A_22, %scan3A_21 : i32
      %add3A_24 = arith.constant 0 : i32
      %add3A_25 = arith.addi %mul3A_23, %add3A_24 : i32
      %mul3A_26 = arith.constant 640 : i32
      %mul3A_27 = arith.muli %add3A_25, %mul3A_26 : i32
      %add3A_28 = arith.addi %multiple_of3A, %mul3A_27 : i32
      %multiple_of3A_29 = tpu.assume_multiple %add3A_28, 640 : i32
      %ge3A = arith.constant 2 : i32
      %ge3A_30 = arith.cmpi sge, %add3A_25, %ge3A : i32
      %convert_element_type3A = arith.extui %ge3A_30 : i1 to i32
      %cond3A = arith.constant 0 : i32
      %cond3A_31 = arith.cmpi ne, %convert_element_type3A, %cond3A : i32
      scf.if %cond3A_31 {
        %dma_wait3A_72 = arith.constant 0 : i32
        %dma_wait3A_73 = tpu.memref_slice %arg4[%multiple_of3A_29, %dma_wait3A_72] : memref<819200x128xf32, #tpu.memory_space<hbm>> -> memref<640x64xf32, #tpu.memory_space<hbm>>
        %dma_wait3A_74 = arith.constant 0 : i32
        %dma_wait3A_75 = tpu.memref_slice %arg4[%multiple_of3A_29, %dma_wait3A_74] : memref<819200x128xf32, #tpu.memory_space<hbm>> -> memref<640x64xf32, #tpu.memory_space<hbm>>
        tpu.wait_dma2 semaphore(%arg10 : memref<!tpu.dma_semaphore, #tpu.memory_space<semaphore_mem>>) src(%arg6 : memref<640x64xf32, #tpu.memory_space<vmem>>) dst(%dma_wait3A_75 : memref<640x64xf32, #tpu.memory_space<hbm>>)
      } else {
      }
      %mul3A_32 = arith.constant 640 : i32
      %mul3A_33 = arith.muli %add3A_25, %mul3A_32 : i32
      %dma_start3A = tpu.memref_slice %arg5[%mul3A_33] : memref<25600xi32, #tpu.memory_space<vmem>> -> memref<640xi32, #tpu.memory_space<vmem>>
      %dma_start3A_34 = arith.constant 0 : i32
      %dma_start3A_35 = arith.constant 0 : i32
      %dma_start3A_36 = tpu.memref_slice %arg3[%dma_start3A_34, %dma_start3A_35] : memref<1000000x64xf32, #tpu.memory_space<hbm>> -> memref<1000000x64xf32, #tpu.memory_space<hbm>>
      tpu.enqueue_indirect_dma source(%dma_start3A_36 : memref<1000000x64xf32, #tpu.memory_space<hbm>>) target(%arg6 : memref<640x64xf32, #tpu.memory_space<vmem>>) offsets(%dma_start3A : memref<640xi32, #tpu.memory_space<vmem>>) semaphore(%arg8 : memref<!tpu.dma_semaphore, #tpu.memory_space<semaphore_mem>>)
      %dma_wait3A_37 = tpu.memref_slice %arg5[%mul3A_33] : memref<25600xi32, #tpu.memory_space<vmem>> -> memref<640xi32, #tpu.memory_space<vmem>>
      %dma_wait3A_38 = arith.constant 0 : i32
      %dma_wait3A_39 = arith.constant 0 : i32
      %dma_wait3A_40 = tpu.memref_slice %arg3[%dma_wait3A_38, %dma_wait3A_39] : memref<1000000x64xf32, #tpu.memory_space<hbm>> -> memref<1000000x64xf32, #tpu.memory_space<hbm>>
      tpu.wait_indirect_dma semaphore(%arg8 : memref<!tpu.dma_semaphore, #tpu.memory_space<semaphore_mem>>) src(%dma_wait3A_40 : memref<1000000x64xf32, #tpu.memory_space<hbm>>) dst(%arg6 : memref<640x64xf32, #tpu.memory_space<vmem>>)
      %dma_start3A_41 = arith.constant 0 : i32
      %dma_start3A_42 = tpu.memref_slice %arg4[%multiple_of3A_29, %dma_start3A_41] : memref<819200x128xf32, #tpu.memory_space<hbm>> -> memref<640x64xf32, #tpu.memory_space<hbm>>
      %dma_start3A_43 = arith.constant 0 : i32
      %dma_start3A_44 = tpu.memref_slice %arg4[%multiple_of3A_29, %dma_start3A_43] : memref<819200x128xf32, #tpu.memory_space<hbm>> -> memref<640x64xf32, #tpu.memory_space<hbm>>
      tpu.enqueue_dma source(%arg6 : memref<640x64xf32, #tpu.memory_space<vmem>>) target(%dma_start3A_44 : memref<640x64xf32, #tpu.memory_space<hbm>>) target_semaphore(%arg10 : memref<!tpu.dma_semaphore, #tpu.memory_space<semaphore_mem>>)
      %mul3A_45 = arith.constant 2 : i32
      %mul3A_46 = arith.muli %mul3A_45, %scan3A_21 : i32
      %add3A_47 = arith.constant 1 : i32
      %add3A_48 = arith.addi %mul3A_46, %add3A_47 : i32
      %mul3A_49 = arith.constant 640 : i32
      %mul3A_50 = arith.muli %add3A_48, %mul3A_49 : i32
      %add3A_51 = arith.addi %multiple_of3A, %mul3A_50 : i32
      %multiple_of3A_52 = tpu.assume_multiple %add3A_51, 640 : i32
      %ge3A_53 = arith.constant 2 : i32
      %ge3A_54 = arith.cmpi sge, %add3A_48, %ge3A_53 : i32
      %convert_element_type3A_55 = arith.extui %ge3A_54 : i1 to i32
      %cond3A_56 = arith.constant 0 : i32
      %cond3A_57 = arith.cmpi ne, %convert_element_type3A_55, %cond3A_56 : i32
      scf.if %cond3A_57 {
        %dma_wait3A_72 = arith.constant 0 : i32
        %dma_wait3A_73 = tpu.memref_slice %arg4[%multiple_of3A_52, %dma_wait3A_72] : memref<819200x128xf32, #tpu.memory_space<hbm>> -> memref<640x64xf32, #tpu.memory_space<hbm>>
        %dma_wait3A_74 = arith.constant 0 : i32
        %dma_wait3A_75 = tpu.memref_slice %arg4[%multiple_of3A_52, %dma_wait3A_74] : memref<819200x128xf32, #tpu.memory_space<hbm>> -> memref<640x64xf32, #tpu.memory_space<hbm>>
        tpu.wait_dma2 semaphore(%arg11 : memref<!tpu.dma_semaphore, #tpu.memory_space<semaphore_mem>>) src(%arg7 : memref<640x64xf32, #tpu.memory_space<vmem>>) dst(%dma_wait3A_75 : memref<640x64xf32, #tpu.memory_space<hbm>>)
      } else {
      }
      %mul3A_58 = arith.constant 640 : i32
      %mul3A_59 = arith.muli %add3A_48, %mul3A_58 : i32
      %dma_start3A_60 = tpu.memref_slice %arg5[%mul3A_59] : memref<25600xi32, #tpu.memory_space<vmem>> -> memref<640xi32, #tpu.memory_space<vmem>>
      %dma_start3A_61 = arith.constant 0 : i32
      %dma_start3A_62 = arith.constant 0 : i32
      %dma_start3A_63 = tpu.memref_slice %arg3[%dma_start3A_61, %dma_start3A_62] : memref<1000000x64xf32, #tpu.memory_space<hbm>> -> memref<1000000x64xf32, #tpu.memory_space<hbm>>
      tpu.enqueue_indirect_dma source(%dma_start3A_63 : memref<1000000x64xf32, #tpu.memory_space<hbm>>) target(%arg7 : memref<640x64xf32, #tpu.memory_space<vmem>>) offsets(%dma_start3A_60 : memref<640xi32, #tpu.memory_space<vmem>>) semaphore(%arg9 : memref<!tpu.dma_semaphore, #tpu.memory_space<semaphore_mem>>)
      %dma_wait3A_64 = tpu.memref_slice %arg5[%mul3A_59] : memref<25600xi32, #tpu.memory_space<vmem>> -> memref<640xi32, #tpu.memory_space<vmem>>
      %dma_wait3A_65 = arith.constant 0 : i32
      %dma_wait3A_66 = arith.constant 0 : i32
      %dma_wait3A_67 = tpu.memref_slice %arg3[%dma_wait3A_65, %dma_wait3A_66] : memref<1000000x64xf32, #tpu.memory_space<hbm>> -> memref<1000000x64xf32, #tpu.memory_space<hbm>>
      tpu.wait_indirect_dma semaphore(%arg9 : memref<!tpu.dma_semaphore, #tpu.memory_space<semaphore_mem>>) src(%dma_wait3A_67 : memref<1000000x64xf32, #tpu.memory_space<hbm>>) dst(%arg7 : memref<640x64xf32, #tpu.memory_space<vmem>>)
      %dma_start3A_68 = arith.constant 0 : i32
      %dma_start3A_69 = tpu.memref_slice %arg4[%multiple_of3A_52, %dma_start3A_68] : memref<819200x128xf32, #tpu.memory_space<hbm>> -> memref<640x64xf32, #tpu.memory_space<hbm>>
      %dma_start3A_70 = arith.constant 0 : i32
      %dma_start3A_71 = tpu.memref_slice %arg4[%multiple_of3A_52, %dma_start3A_70] : memref<819200x128xf32, #tpu.memory_space<hbm>> -> memref<640x64xf32, #tpu.memory_space<hbm>>
      tpu.enqueue_dma source(%arg7 : memref<640x64xf32, #tpu.memory_space<vmem>>) target(%dma_start3A_71 : memref<640x64xf32, #tpu.memory_space<hbm>>) target_semaphore(%arg11 : memref<!tpu.dma_semaphore, #tpu.memory_space<semaphore_mem>>)
    }
    %scan3A_7 = arith.constant 20 : i32
    %add3A_8 = arith.constant 24320 : i32
    %add3A_9 = arith.addi %multiple_of3A, %add3A_8 : i32
    %multiple_of3A_10 = tpu.assume_multiple %add3A_9, 640 : i32
    %dma_wait3A = arith.constant 0 : i32
    %dma_wait3A_11 = tpu.memref_slice %arg4[%multiple_of3A_10, %dma_wait3A] : memref<819200x128xf32, #tpu.memory_space<hbm>> -> memref<640x64xf32, #tpu.memory_space<hbm>>
    %dma_wait3A_12 = arith.constant 0 : i32
    %dma_wait3A_13 = tpu.memref_slice %arg4[%multiple_of3A_10, %dma_wait3A_12] : memref<819200x128xf32, #tpu.memory_space<hbm>> -> memref<640x64xf32, #tpu.memory_space<hbm>>
    tpu.wait_dma2 semaphore(%arg10 : memref<!tpu.dma_semaphore, #tpu.memory_space<semaphore_mem>>) src(%arg6 : memref<640x64xf32, #tpu.memory_space<vmem>>) dst(%dma_wait3A_13 : memref<640x64xf32, #tpu.memory_space<hbm>>)
    %add3A_14 = arith.constant 24960 : i32
    %add3A_15 = arith.addi %multiple_of3A, %add3A_14 : i32
    %multiple_of3A_16 = tpu.assume_multiple %add3A_15, 640 : i32
    %dma_wait3A_17 = arith.constant 0 : i32
    %dma_wait3A_18 = tpu.memref_slice %arg4[%multiple_of3A_16, %dma_wait3A_17] : memref<819200x128xf32, #tpu.memory_space<hbm>> -> memref<640x64xf32, #tpu.memory_space<hbm>>
    %dma_wait3A_19 = arith.constant 0 : i32
    %dma_wait3A_20 = tpu.memref_slice %arg4[%multiple_of3A_16, %dma_wait3A_19] : memref<819200x128xf32, #tpu.memory_space<hbm>> -> memref<640x64xf32, #tpu.memory_space<hbm>>
    tpu.wait_dma2 semaphore(%arg11 : memref<!tpu.dma_semaphore, #tpu.memory_space<semaphore_mem>>) src(%arg7 : memref<640x64xf32, #tpu.memory_space<vmem>>) dst(%dma_wait3A_20 : memref<640x64xf32, #tpu.memory_space<hbm>>)
    return
  }
}

module attributes {stable_mosaic.version = 14 : i64} {
  func.func @_times_body(%arg0: i32, %arg1: memref<8x4096xf32, #tpu.memory_space<vmem>>, %arg2: memref<1x4096xf32, #tpu.memory_space<vmem>>, %arg3: memref<64x1xf32, #tpu.memory_space<vmem>>, %arg4: memref<64x1xf32, #tpu.memory_space<vmem>>, %arg5: memref<1x64xf32, #tpu.memory_space<vmem>>, %arg6: memref<8x64x4096xf32, #tpu.memory_space<vmem>>, %arg7: memref<1x64xf32, #tpu.memory_space<vmem>>) attributes {dimension_semantics = [#tpu.dimension_semantics<arbitrary>], iteration_bounds = array<i64: 25>, scalar_prefetch = 0 : i64, scratch_operands = 0 : i64, tpu.core_type = #tpu.core_type<tc>, window_params = [{transform_indices = @transform_0, window_bounds = array<i64: 8, 4096>}, {pipeline_mode = #tpu.pipeline_mode<synchronous>, transform_indices = @transform_1, window_bounds = array<i64: 1, 4096>}, {pipeline_mode = #tpu.pipeline_mode<synchronous>, transform_indices = @transform_2, window_bounds = array<i64: 64, 1>}, {pipeline_mode = #tpu.pipeline_mode<synchronous>, transform_indices = @transform_3, window_bounds = array<i64: 64, 1>}, {pipeline_mode = #tpu.pipeline_mode<synchronous>, transform_indices = @transform_4, window_bounds = array<i64: 1, 64>}, {transform_indices = @transform_5, window_bounds = array<i64: 8, 64, 4096>}, {pipeline_mode = #tpu.pipeline_mode<synchronous>, transform_indices = @transform_6, window_bounds = array<i64: 1, 64>}]} {
    %get3A = arith.constant 0 : index
    %get3A_0 = arith.constant 0 : index
    %get3A_1 = vector.load %arg2[%get3A, %get3A_0] : memref<1x4096xf32, #tpu.memory_space<vmem>>, vector<1x4096xf32>
    %get3A_2 = arith.constant 0 : index
    %get3A_3 = arith.constant 0 : index
    %get3A_4 = vector.load %arg1[%get3A_2, %get3A_3] : memref<8x4096xf32, #tpu.memory_space<vmem>>, vector<8x4096xf32>
    %sub3A = vector.broadcast %get3A_1 : vector<1x4096xf32> to vector<8x4096xf32>
    %sub3A_5 = arith.subf %sub3A, %get3A_4 : vector<8x4096xf32>
    %add3A = arith.constant 1.000000e+00 : f32
    %add3A_6 = vector.broadcast %add3A : f32 to vector<8x4096xf32>
    %add3A_7 = arith.addf %sub3A_5, %add3A_6 : vector<8x4096xf32>
    %log3A = math.log %add3A_7 : vector<8x4096xf32>
    %broadcast_in_dim3A = vector.shape_cast %log3A : vector<8x4096xf32> to vector<8x1x4096xf32>
    %get3A_8 = arith.constant 0 : index
    %get3A_9 = arith.constant 0 : index
    %get3A_10 = vector.load %arg3[%get3A_8, %get3A_9] : memref<64x1xf32, #tpu.memory_space<vmem>>, vector<64x1xf32>
    %broadcast_in_dim3A_11 = vector.shape_cast %get3A_10 : vector<64x1xf32> to vector<1x64x1xf32>
    %mul3A = vector.broadcast %broadcast_in_dim3A : vector<8x1x4096xf32> to vector<8x64x4096xf32>
    %mul3A_12 = vector.broadcast %broadcast_in_dim3A_11 : vector<1x64x1xf32> to vector<8x64x4096xf32>
    %mul3A_13 = arith.mulf %mul3A, %mul3A_12 : vector<8x64x4096xf32>
    %get3A_14 = arith.constant 0 : index
    %get3A_15 = arith.constant 0 : index
    %get3A_16 = vector.load %arg4[%get3A_14, %get3A_15] : memref<64x1xf32, #tpu.memory_space<vmem>>, vector<64x1xf32>
    %broadcast_in_dim3A_17 = vector.shape_cast %get3A_16 : vector<64x1xf32> to vector<1x64x1xf32>
    %add3A_18 = vector.broadcast %broadcast_in_dim3A_17 : vector<1x64x1xf32> to vector<8x64x4096xf32>
    %add3A_19 = arith.addf %mul3A_13, %add3A_18 : vector<8x64x4096xf32>
    %swap3A = arith.constant 0 : index
    %swap3A_20 = arith.constant 0 : index
    %swap3A_21 = arith.constant 0 : index
    %swap3A_22 = vector.load %arg6[%swap3A, %swap3A_20, %swap3A_21] : memref<8x64x4096xf32, #tpu.memory_space<vmem>>, vector<8x64x4096xf32>
    tpu.vector_store %arg6[%swap3A, %swap3A_20, %swap3A_21], %add3A_19 {strides = array<i32>} : memref<8x64x4096xf32, #tpu.memory_space<vmem>>, vector<8x64x4096xf32>,
    %get3A_23 = arith.constant 0 : index
    %get3A_24 = arith.constant 0 : index
    %get3A_25 = vector.load %arg5[%get3A_23, %get3A_24] : memref<1x64xf32, #tpu.memory_space<vmem>>, vector<1x64xf32>
    %swap3A_26 = arith.constant 0 : index
    %swap3A_27 = arith.constant 0 : index
    %swap3A_28 = vector.load %arg7[%swap3A_26, %swap3A_27] : memref<1x64xf32, #tpu.memory_space<vmem>>, vector<1x64xf32>
    tpu.vector_store %arg7[%swap3A_26, %swap3A_27], %get3A_25 {strides = array<i32>} : memref<1x64xf32, #tpu.memory_space<vmem>>, vector<1x64xf32>,
    return
  }
  func.func @transform_0(%arg0: i32) -> (i32, i32) {
    %c0_i32 = arith.constant 0 : i32
    %c0_i32_0 = arith.constant 0 : i32
    return %arg0, %c0_i32 : i32, i32
  }
  func.func @transform_1(%arg0: i32) -> (i32, i32) {
    %c0_i32 = arith.constant 0 : i32
    %c0_i32_0 = arith.constant 0 : i32
    %c0_i32_1 = arith.constant 0 : i32
    return %c0_i32, %c0_i32_0 : i32, i32
  }
  func.func @transform_2(%arg0: i32) -> (i32, i32) {
    %c0_i32 = arith.constant 0 : i32
    %c0_i32_0 = arith.constant 0 : i32
    %c0_i32_1 = arith.constant 0 : i32
    return %c0_i32, %c0_i32_0 : i32, i32
  }
  func.func @transform_3(%arg0: i32) -> (i32, i32) {
    %c0_i32 = arith.constant 0 : i32
    %c0_i32_0 = arith.constant 0 : i32
    %c0_i32_1 = arith.constant 0 : i32
    return %c0_i32, %c0_i32_0 : i32, i32
  }
  func.func @transform_4(%arg0: i32) -> (i32, i32) {
    %c0_i32 = arith.constant 0 : i32
    %c0_i32_0 = arith.constant 0 : i32
    %c0_i32_1 = arith.constant 0 : i32
    return %c0_i32, %c0_i32_0 : i32, i32
  }
  func.func @transform_5(%arg0: i32) -> (i32, i32, i32) {
    %c0_i32 = arith.constant 0 : i32
    %c0_i32_0 = arith.constant 0 : i32
    %c0_i32_1 = arith.constant 0 : i32
    return %arg0, %c0_i32, %c0_i32_0 : i32, i32, i32
  }
  func.func @transform_6(%arg0: i32) -> (i32, i32) {
    %c0_i32 = arith.constant 0 : i32
    %c0_i32_0 = arith.constant 0 : i32
    %c0_i32_1 = arith.constant 0 : i32
    return %c0_i32, %c0_i32_0 : i32, i32
  }
}

</mosaic_0001>

<sc_bundles>
// kernel: kernel.4.cloned.1.call-start
scs
__scs_entry_jumppad:
0x0: {  	(pc) =	sbr.rel $0x88, $3  }
0x1: {  	(tag) =	ssettag $0x0;
	lr =	simm.s32 $0x1  }
0x2: {  	[smem:$0x3F9A] =	sst lr;
	_ =	strace $0xD0000000  }
0x3: {  	_ = 	snop  }
0x4: {  	_ = 	snop  }
0x5: {  	_ = 	snop  }
0x6: {  	_ = 	snop  }
0x7: {  	_ = 	snop  }
__scs_overlays_trampoline_lowered:
0x8: {  	[smem:$0x3FA9] =	sst s0  }
0x9: {  	[smem:$0x3FAA] =	sst s1  }
0xa: {  	[smem:$0x3FAB] =	sst s2  }
0xb: {  	[smem:$0x3FAC] =	sst s3  }
0xc: {  	[smem:$0x3FAD] =	sst s4  }
0xd: {  	[smem:$0x3FAE] =	sst s5  }
0xe: {  	[smem:$0x3FAF] =	sst s6  }
0xf: {  	[smem:$0x3FB0] =	sst s7  }
0x10: {  	[smem:$0x3FB1] =	sst s8  }
0x11: {  	[smem:$0x3FB2] =	sst s9;
	s0 =	simm.s32 @!p0 $0x0  }
0x12: {  	s1 =	sld [smem:$0x3F98];
	s0 =	simm.s32 @p0 $0x1  }
0x13: {  	[smem:$0x3FB3] =	sst s0;
	s0 =	simm.s32 @!p1 $0x0  }
0x14: {  	s2 =	sld [smem:$0x3F97];
	s0 =	simm.s32 @p1 $0x1  }
0x15: {  	[smem:$0x3FB4] =	sst s0;
	s0 =	simm.s32 @!p2 $0x0  }
0x16: {  	s3 =	sld [smem:$0x3FDB];
	s0 =	simm.s32 @p2 $0x1  }
0x17: {  	s4 =	simm.s32 $0x1BF5;
	[smem:$0x3FB6] =	sst s0  }
0x18: {  	s0 =	sld [smem:$0x3F99];
	_ =	swait.ge [sflag:s4], $0x0  }
0x19: {  	s7 =	sld [smem:$0x3F9A]  }
0x1a: {  	s8 =	sadd.s32 $0xFFFFE003, lr  }
0x1b: {  	s9 =	sadd.s32 $0xFFFFFEF7, lr;
	s5 =	simm.s32 $0xFFFFFFFF;
	p2 =	slt.u32 s8, $0xFFFFF086  }
0x1c: {  	p1 =	slt.u32 s9, $0xF7A;
	s5 =	simm.s32 @!p2 $0x0  }
0x1d: {  	s5 =	simm.s32 @p1 $0x1;
	p0 =	seq.s32 s7, s2  }
0x1e: {  	s7 =	smul.u32 @!p0 $0xF7A, s2;
	p2 =	seq.s32 @!p0 s5, $0x0  }
0x1f: {  	s9 =	smul.u32 $0xF7A, s1;
	s8 =	simm.s32 @!p0 $0x1BF5;
	p2 =	por !p2, p0  }
0x20: {  	[sflag:s8] =	ssyncset.s32 @!p0 $0xFFFFF086;
	s6 =	sadd.s32 @!p0 s3, s7;
	s7 =	simm.s32 @!p0 $0x108  }
0x21: {  	s3 =	sadd.s32 s3, s9;
	s6 =	sadd.s32 @!p0 $0x88, s6;
	s7 =	simm.s32 @p2 $0x1082  }
0x22: {  	[simem:s7], [sflag:s8] =	dma.local @!p0 [hbm:s6], $0xF7A  }
0x23: {  	s9 =	sor.u32 $0xD0000000, s2;
	s6 =	simm.s32 $0x108;
	_ =	swait.ge @!p0 [sflag:s8], $0x0  }
0x24: {  	s3 =	sadd.s32 $0x88, s3;
	s6 =	simm.s32 @!p1 $0x1082;
	[sflag:s4] =	ssyncset.s32 $0xFFFFF086  }
0x25: {  	[simem:s6], [sflag:s4] =	dma.local [hbm:s3], $0xF7A  }
0x26: {  	[smem:$0x3F9A] =	sst s1;
	(tag) =	ssettag s2;
	_ =	strace s9  }
0x27: {  	s1 =	sld [smem:$0x3FAA]  }
0x28: {  	s2 =	sld [smem:$0x3FAB]  }
0x29: {  	s4 =	sld [smem:$0x3FAD]  }
0x2a: {  	p0 =	seq.s32 s5, $0x0;
	s5 =	sld [smem:$0x3FAE]  }
0x2b: {  	s6 =	sld [smem:$0x3FAF]  }
0x2c: {  	s7 =	sld [smem:$0x3FB0]  }
0x2d: {  	s3 =	simm.s32 $0x108;
	s8 =	sld [smem:$0x3FB1]  }
0x2e: {  	s3 =	simm.s32 @!p0 $0x1082;
	s9 =	sld [smem:$0x3FB2]  }
0x2f: {  	lr =	sadd.s32 s0, s3;
	s0 =	sld [smem:$0x3FA9]  }
0x30: {  	s3 =	sld [smem:$0x3FAC]  }
0x31: {  	[smem:$0x3FB5] =	sst s10  }
0x32: {  	s10 =	sld [smem:$0x3FB3];
	_ =	sdelay $0x3  }
0x33: {  	p0 =	seq.s32 s10, $0x1;
	s10 =	sld [smem:$0x3FB5];
	_ =	sdelay $0x3  }
0x34: {  	[smem:$0x3FB5] =	sst s10  }
0x35: {  	s10 =	sld [smem:$0x3FB4];
	_ =	sdelay $0x3  }
0x36: {  	p1 =	seq.s32 s10, $0x1;
	s10 =	sld [smem:$0x3FB5];
	_ =	sdelay $0x3  }
0x37: {  	[smem:$0x3FB5] =	sst s10  }
0x38: {  	s10 =	sld [smem:$0x3FB6]  }
0x39: {  	_ = 	snop;
	(pc) =	sbr.ind lr, $3  }
0x3a: {  	_ = 	snop  }
0x3b: {  	_ = 	snop  }
0x3c: {  	p2 =	seq.s32 s10, $0x1;
	s10 =	sld [smem:$0x3FB5]  }
0x3d: {  	_ =	shalt  }
0x3e: {  	_ =	shalt  }
0x3f: {  	_ =	shalt  }
0x40: {  	_ =	shalt  }
0x41: {  	_ =	shalt  }
0x42: {  	_ =	shalt  }
0x43: {  	_ =	shalt  }
0x44: {  	_ =	shalt  }
0x45: {  	_ =	shalt  }
0x46: {  	_ =	shalt  }
0x47: {  	_ =	shalt  }
0x48: {  	_ =	shalt  }
0x49: {  	_ =	shalt  }
0x4a: {  	_ =	shalt  }
0x4b: {  	_ =	shalt  }
0x4c: {  	_ =	shalt  }
0x4d: {  	_ =	shalt  }
0x4e: {  	_ =	shalt  }
0x4f: {  	_ =	shalt  }
0x50: {  	_ =	shalt  }
0x51: {  	_ =	shalt  }
0x52: {  	_ =	shalt  }
0x53: {  	_ =	shalt  }
0x54: {  	_ =	shalt  }
0x55: {  	_ =	shalt  }
0x56: {  	_ =	shalt  }
0x57: {  	_ =	shalt  }
0x58: {  	_ =	shalt  }
0x59: {  	_ =	shalt  }
0x5a: {  	_ =	shalt  }
0x5b: {  	_ =	shalt  }
0x5c: {  	_ =	shalt  }
0x5d: {  	_ =	shalt  }
0x5e: {  	_ =	shalt  }
0x5f: {  	_ =	shalt  }
0x60: {  	_ =	shalt  }
0x61: {  	_ =	shalt  }
0x62: {  	_ =	shalt  }
0x63: {  	_ =	shalt  }
0x64: {  	_ =	shalt  }
0x65: {  	_ =	shalt  }
0x66: {  	_ =	shalt  }
0x67: {  	_ =	shalt  }
0x68: {  	_ =	shalt  }
0x69: {  	_ =	shalt  }
0x6a: {  	_ =	shalt  }
0x6b: {  	_ =	shalt  }
0x6c: {  	_ =	shalt  }
0x6d: {  	_ =	shalt  }
0x6e: {  	_ =	shalt  }
0x6f: {  	_ =	shalt  }
0x70: {  	_ =	shalt  }
0x71: {  	_ =	shalt  }
0x72: {  	_ =	shalt  }
0x73: {  	_ =	shalt  }
0x74: {  	_ =	shalt  }
0x75: {  	_ =	shalt  }
0x76: {  	_ =	shalt  }
0x77: {  	_ =	shalt  }
0x78: {  	_ =	shalt  }
0x79: {  	_ =	shalt  }
0x7a: {  	_ =	shalt  }
0x7b: {  	_ =	shalt  }
0x7c: {  	_ =	shalt  }
0x7d: {  	_ =	shalt  }
0x7e: {  	_ =	shalt  }
0x7f: {  	_ =	shalt  }
0x80: {  	_ =	shalt  }
0x81: {  	_ =	shalt  }
0x82: {  	_ =	shalt  }
0x83: {  	_ =	shalt  }
0x84: {  	_ =	shalt  }
0x85: {  	_ =	shalt  }
0x86: {  	_ =	shalt  }
0x87: {  	_ =	shalt  }
.Lfunc_end0:
.L_simem_size_0:
called_computation.1_lowered:
.L_overlay_start_0:
0x88: {  	s2 =	sld [smem:$0x3FD9]  }
0x89: {  	s3 =	sld [smem:$0x3FFE];
	_ =	sdelay $0x1  }
0x8a: {  	s1 =	srdreg.scid  }
0x8b: {  	s0 =	sand.u32 $0x1, s1  }
0x8c: {  	s14 =	sshll.u32 s0, $0xA;
	s2 =	sadd.s32 s3, s2  }
0x8d: {  	s2 =	sadd.s32 s2, s14  }
0x8e: {  	[smem:$0x3FC1] =	sst s2  }
0x8f: {  	_ = 	snop  }
0x90: {  	s2 =	sld [smem:$0x3FD0];
	_ =	sdelay $0x2  }
0x91: {  	s15 =	simm.s32 $0xA;
	s4 =	simm.s32 $0x10  }
0x92: {  	[smem:s4], [sflag:s15] =	dma.local [hbm:s2], $0x1  }
0x93: {  	_ =	swait.eq [sflag:s15], $0x1  }
0x94: {  	[sflag:s15] =	ssyncset.done $0x0  }
0x95: {  	[sflag:s15] =	ssyncadd.s32 $0xFFFFFFFF  }
0x96: {  	s16 =	sld [smem:$0x10];
	(tm) =	ssettm $0x1  }
0x97: {  	s17 =	sld [smem:$0x3FFB];
	_ =	sdelay $0x3  }
0x98: {  	_ =	strace s17  }
0x99: {  	s3 =	sld [smem:$0x3FFC];
	_ =	sdelay $0x3  }
0x9a: {  	_ =	strace s3  }
0x9b: {  	s3 =	sld [smem:$0x3FFD];
	_ =	sdelay $0x3  }
0x9c: {  	_ =	strace s3  }
0x9d: {  	_ =	strace $0x8FFFFFFF  }
0x9e: {  	s18 =	sld [smem:$0x3FDB];
	_ =	sdelay $0x1  }
0x9f: {  	s19 =	simm.s32 $_scs_section_size  }
0xa0: {  	s5 =	simm.s32 $_size__tile_overlayer_lowered;
	s6 =	simm.s32 $_tile_overlayer_lowered  }
0xa1: {  	s22 =	simm.s32 $0x1BFF;
	s21 =	sshll.u32 s6, $0x1;
	s3 =	sadd.s32 s19, s18  }
0xa2: {  	s7 =	simm.s32 $0x0;
	s20 =	sshll.u32 s5, $0x1;
	s5 =	sadd.s32 s21, s3  }
0xa3: {  	[timem:s7], [sflag:s22] =	dma.local [hbm:s5], s20  }
0xa4: {  	_ =	swait.ge [sflag:s22], s20  }
0xa5: {  	s4 =	ssub.s32 $0x0, s20;
	[sflag:s22] =	ssyncset.done $0x0  }
0xa6: {  	[sflag:s22] =	ssyncadd.s32 s4;
	_ =	sdelay $0x1  }
0xa7: {  	s23 =	simm.s32 $0x1B8B  }
0xa8: {  	_ =	swait.ge [sflag:s23], $0x1  }
0xa9: {  	[sflag:s23] =	ssyncset.done $0x0  }
0xaa: {  	s25 =	simm.s32 $0x1B8E;
	s24 =	sld [smem:$0x3FFE];
	[sflag:s23] =	ssyncadd.s32 $0xFFFFFFFF  }
0xab: {  	s26 =	simm.s32 $execute0_lowered;
	[smem:$0x3FD2] =	sst s25  }
0xac: {  	s5 =	sshll.u32 s26, $0x1;
	_ =	strace $0x80000046;
	[dreg:$0x1] =	wrdreg $0xFFFFFFFF  }
0xad: {  	s28 =	simm.s32 $_size_execute0_lowered;
	s3 =	sadd.s32 s3, s5;
	[dreg:$0x0] =	wrdreg $0x0  }
0xae: {  	s5 =	sshll.u32 s28, $0x1;
	[dreg:$0x2] =	wrdreg s3  }
0xaf: {  	[dreg:$0x3] =	wrdreg s5  }
0xb0: {  	[dreg:$0x4] =	wrdreg $0xC0  }
0xb1: {  	_ =	task [dreg:s7], $0x5FFFF  }
0xb2: {  	[dreg:$0x1] =	wrdreg $0xFFFFFFFF  }
0xb3: {  	[dreg:$0x0] =	wrdreg $0x60  }
0xb4: {  	[dreg:$0x2] =	wrdreg s16  }
0xb5: {  	[dreg:$0x3] =	wrdreg s24  }
0xb6: {  	[dreg:$0x4] =	wrdreg $0x9  }
0xb7: {  	_ =	task.clear_ibuf [dreg:s7], $0x5FFFF;
	_ =	strace $0x90000046  }
0xb8: {  	s29 =	simm.s32 $0x9;
	_ =	strace $0x80000048  }
0xb9: {  	_ =	swait.ge [sflag:s29], $0x1  }
0xba: {  	[sflag:s29] =	ssyncadd.s32 $0xFFFFFFFF  }
0xbb: {  	_ =	strace $0x90000048  }
0xbc: {  	_ =	sfence  }
0xbd: {  	s30 =	sld [smem:$0x0];
	_ =	sdelay $0x2  }
0xbe: {  	s31 =	sshll.u32 s1, $0xD;
	s1 =	sshrl.u32 s1, $0x2  }
0xbf: {  	s3 =	sand.u32 $0x4000, s31;
	s1 =	sadd.s32 s1, s30  }
0xc0: {  	s0 =	sor.u32 s3, s0;
	s1 =	sshll.u32 s1, $0x11  }
0xc1: {  	s0 =	sor.u32 s1, s0  }
0xc2: {  	s0 =	sadd.s32 $0x8F2B, s0  }
0xc3: {  	[sflag:s0] =	ssyncadd.remote.s32 $0x1  }
0xc4: {  	_ =	sfence.sel $0xFFFF  }
0xc5: {  	[dreg:$0x0] =	wrdreg $0xFFFFFFFF;
	(pc) =	sbr.abs _section_cstart, $3  }
0xc6: {  	[dreg:$0x1] =	wrdreg $0xFFFFFFFF  }
0xc7: {  	_ =	task.clear_ibuf [dreg:s7], $0x2FFFF;
	_ =	strace $0x9FFFFFFF  }
0xc8: {  	(tm) =	ssettm $0x7FFFFFFF  }
0xc9: {  	_ =	shalt  }
tec
execute0_lowered:
.L_overlay_start_1:
0x0: {  	(tag) =	ssettag $0x1  }
0x1: {  	s4 =	rddreg [dreg:$0x0];
	s1 =	srdreg.scid  }
0x2: {  	s0 =	stileid.u32;
	s5 =	rddreg [dreg:$0x1];
	s2 =	simm.s32 $0x0  }
0x3: {  	s14 =	simm.s32 $0x40;
	s15 =	simm.s32 $0x80;
	s16 =	simm.s32 $0x10400  }
0x4: {  	s17 =	simm.s32 $0x2;
	s18 =	simm.s32 $0x3;
	s11 =	smul.u32 $0xC800, s0  }
0x5: {  	s19 =	simm.s32 $0x4;
	s7 =	sand.u32 $0x1, s1;
	s26 =	smul.u32 $0xC8000, s0  }
0x6: {  	s20 =	simm.s32 $0x0;
	s3 =	sshll.u32 s0, $0x1;
	s12 =	smul.u32 $0x6400, s7  }
0x7: {  	s1 =	rddreg [dreg:$0x2];
	s3 =	sor.u32 s7, s3;
	s28 =	smul.u32 $0x64000, s7  }
0x8: {  	[smem:$0x7FF] =	sst s2;
	s13 =	sadd.s32 $0x1400, s5;
	s8 =	smul.u32 $0x6400, s3  }
0x9: {  	_ =	strace $0x80000047;
	s6 =	ssub.s32 $0x2, s7;
	s9 =	smul.u32 $0x64000, s3  }
0xa: {  	s3 =	sadd.s32 $0xF43800, s5;
	s10 =	sshrl.u32 s6, $0x1;
	s31 =	sadd.s32 s26, s13  }
0xb: {  	s6 =	ssub.s32 s6, s10;
	s25 =	sadd.s32 s12, s11;
	s10 =	simm.s32 $0x5  }
0xc: {  	s11 =	simm.s32 $0x280;
	s12 =	simm.s32 $0x6400;
	s24 =	sshrl.u32 s8, $0x3  }
0xd: {  	s5 =	smax.u32 s6, $0x1;
	s6 =	sadd.s32 s13, s9;
	s8 =	sshll.u32 s8, $0x4  }
0xe: {  	s9 =	sshll.u32 s25, $0x4;
	s4 =	sadd.s32 s4, s24;
	s29 =	sadd.s32 s8, s13  }
0xf: {  	s30 =	sadd.s32 s13, s9;
	s9 =	sadd.s32 s28, s31;
	s13 =	simm.s32 $0x1  }
0x10: {  	s7 =	sadd.s32 $0x2800, s29;
	s8 =	sadd.s32 $0x7800, s30;
	s9 =	sadd.s32 $0x5000, s9  }
.LBB2_1:
0x11: {  	[tilespmem:s2], [sflag:$0x5] =	stream.linear.gather [hbm4b:s4+s2], $0x6400, $0x38;
	[tilespmem:$0x1A400] =	vst v63  }
0x12: {  	_ =	swait.ge [sflag:s10], $0x6400  }
0x13: {  	[sflag:s10] =	ssyncset.done $0x0  }
0x14: {  	[sflag:s10] =	ssyncadd.s32 $0xFFFF9C00  }
0x15: {  	[tilespmem:s12], [sflag:$0x1] =	stream.indirect.gather [hbm4b:s3+s11], $0x40, s2, s11, $0xb8;
	[tilespmem:$0x1A400] =	vst v63  }
0x16: {  	_ =	swait.ge [sflag:s13], $0xA000  }
0x17: {  	[sflag:s13] =	ssyncset.done $0x0  }
0x18: {  	[sflag:s13] =	ssyncadd.s32 $0xFFFF6000  }
0x19: {  	[hbm4b:s6+s14] =	stream.strided.scatter [tilespmem:s12], [sflag:$0x3], $0xA000, s15, s14, $0x38;
	[tilespmem:$0x1A400] =	vst v63  }
0x1a: {  	_ = 	snop  }
0x1b: {  	[tilespmem:s16], [sflag:$0x2] =	stream.indirect.gather [hbm4b:s3+s11], $0x40, s11, s11, $0xb8;
	[tilespmem:$0x1A400] =	vst v63  }
0x1c: {  	_ =	swait.ge [sflag:s17], $0xA000  }
0x1d: {  	[sflag:s17] =	ssyncset.done $0x0  }
0x1e: {  	[sflag:s17] =	ssyncadd.s32 $0xFFFF6000  }
0x1f: {  	[hbm4b:s7+s14] =	stream.strided.scatter [tilespmem:s16], [sflag:$0x4], $0xA000, s15, s14, $0x38;
	[tilespmem:$0x1A400] =	vst v63  }
0x20: {  	_ =	swait.ge [sflag:s18], $0xA000  }
0x21: {  	[sflag:s18] =	ssyncset.done $0x0  }
0x22: {  	s21 =	simm.s32 $0x500;
	[sflag:s18] =	ssyncadd.s32 $0xFFFF6000  }
0x23: {  	[tilespmem:s12], [sflag:$0x1] =	stream.indirect.gather [hbm4b:s3+s11], $0x40, s21, s11, $0xb8;
	[tilespmem:$0x1A400] =	vst v63  }
0x24: {  	_ =	swait.ge [sflag:s13], $0xA000  }
0x25: {  	[sflag:s13] =	ssyncset.done $0x0  }
0x26: {  	s30 =	sadd.s32 $0x0, s9;
	[sflag:s13] =	ssyncadd.s32 $0xFFFF6000  }
0x27: {  	[hbm4b:s30+s14] =	stream.strided.scatter [tilespmem:s12], [sflag:$0x3], $0xA000, s15, s14, $0x38;
	[tilespmem:$0x1A400] =	vst v63  }
0x28: {  	_ =	swait.ge [sflag:s19], $0xA000  }
0x29: {  	[sflag:s19] =	ssyncset.done $0x0  }
0x2a: {  	s31 =	simm.s32 $0x780;
	[sflag:s19] =	ssyncadd.s32 $0xFFFF6000  }
0x2b: {  	[tilespmem:s16], [sflag:$0x2] =	stream.indirect.gather [hbm4b:s3+s11], $0x40, s31, s11, $0xb8;
	[tilespmem:$0x1A400] =	vst v63  }
0x2c: {  	_ =	swait.ge [sflag:s17], $0xA000  }
0x2d: {  	s23 =	sadd.s32 $0x0, s8;
	[sflag:s17] =	ssyncset.done $0x0  }
0x2e: {  	s22 =	simm.s32 $0xC80;
	s21 =	simm.s32 $0x5000;
	[sflag:s17] =	ssyncadd.s32 $0xFFFF6000  }
.LBB2_2:
0x2f: {  	[hbm4b:s23+s14] =	stream.strided.scatter [tilespmem:s16], [sflag:$0x4], $0xA000, s15, s14, $0x38;
	[tilespmem:$0x1A400] =	vst v63  }
0x30: {  	s23 =	smov.u32 s21  }
0x31: {  	p0 =	sne.s32 s21, $0x5A000;
	s21 =	sadd.s32 $0x5000, s21;
	_ =	swait.ge [sflag:s18], $0xA000  }
0x32: {  	[sflag:s18] =	ssyncset.done $0x0  }
0x33: {  	s24 =	sadd.s32 $0xFFFFFD80, s22;
	[sflag:s18] =	ssyncadd.s32 $0xFFFF6000  }
0x34: {  	[tilespmem:s12], [sflag:$0x1] =	stream.indirect.gather [hbm4b:s3+s11], $0x40, s24, s11, $0xb8;
	[tilespmem:$0x1A400] =	vst v63  }
0x35: {  	_ =	swait.ge [sflag:s13], $0xA000  }
0x36: {  	[sflag:s13] =	ssyncset.done $0x0  }
0x37: {  	s24 =	sadd.s32 s23, s9;
	[sflag:s13] =	ssyncadd.s32 $0xFFFF6000  }
0x38: {  	[hbm4b:s24+s14] =	stream.strided.scatter [tilespmem:s12], [sflag:$0x3], $0xA000, s15, s14, $0x38;
	[tilespmem:$0x1A400] =	vst v63  }
0x39: {  	_ =	swait.ge [sflag:s19], $0xA000  }
0x3a: {  	[sflag:s19] =	ssyncset.done $0x0  }
.Ltmp0:
0x3b: {  	[sflag:s19] =	ssyncadd.s32 $0xFFFF6000;
	(pc) =	sbr.rel @p0 .LBB2_2-.Ltmp0, $4  }
0x3c: {  	[tilespmem:s16], [sflag:$0x2] =	stream.indirect.gather [hbm4b:s3+s11], $0x40, s22, s11, $0xb8;
	[tilespmem:$0x1A400] =	vst v63  }
0x3d: {  	_ =	swait.ge [sflag:s17], $0xA000  }
0x3e: {  	[sflag:s17] =	ssyncset.done $0x0  }
0x3f: {  	s23 =	sadd.s32 s23, s8;
	s22 =	sadd.s32 $0x500, s22;
	[sflag:s17] =	ssyncadd.s32 $0xFFFF6000  }
0x40: {  	[hbm4b:s23+s14] =	stream.strided.scatter [tilespmem:s16], [sflag:$0x4], $0xA000, s15, s14, $0x38;
	[tilespmem:$0x1A400] =	vst v63  }
0x41: {  	s20 =	sadd.s32 $0x1, s20  }
0x42: {  	_ =	swait.ge [sflag:s18], $0xA000;
	p0 =	sne.s32 s20, s5  }
.Ltmp1:
0x43: {  	[sflag:s18] =	ssyncset.done $0x0;
	(pc) =	sbr.rel @p0 .LBB2_1-.Ltmp1, $4  }
0x44: {  	[sflag:s18] =	ssyncadd.s32 $0xFFFF6000  }
0x45: {  	_ =	swait.ge [sflag:s19], $0xA000  }
0x46: {  	[sflag:s19] =	ssyncset.done $0x0  }
0x47: {  	[sflag:s19] =	ssyncadd.s32 $0xFFFF6000  }
0x48: {  	_ =	sfence.sel $0x180000  }
0x49: {  	[bflag:$0x0] =	sbarrier.arrive $0xFFFF  }
0x4a: {  	p0 =	sne.s32 s0, $0x0;
	_ =	strace $0x90000047  }
0x4b: {  	s0 =	sadd.s32 @!p0 $0x100000, s1;
	[bflag:$0x2] =	sbarrier.arrive $0xFFFF  }
0x4c: {  	[sflag:s0] =	ssyncadd.tile.s32 @!p0 $0x1;
	_ =	shalt  }
.Lfunc_end2:
_tile_overlayer_lowered:
.L_overlay_start_2:
0x4d: {  	(tag) =	ssettag $0x2  }
0x4e: {  	s0 =	rddreg [dreg:$0x0];
	s2 =	stileid.u32  }
0x4f: {  	s1 =	rddreg [dreg:$0x1];
	p0 =	sne.s32 s2, $0x0  }
0x50: {  	s3 =	rddreg [dreg:$0x2];
	[bflag:$0x3] =	sbarrier.arrive $0xFFFF;
	s2 =	simm.s32 @!p0 $0x1C05  }
0x51: {  	[timem:s3], [sflag:s2] =	dma.local @!p0 [hbm:s0], s1  }
0x52: {  	s0 =	simm.s32 @!p0 $0x5  }
0x53: {  	_ =	swait.ge @!p0 [sflag:s0], s1  }
0x54: {  	s1 =	ssub.s32 @!p0 $0x0, s1;
	[sflag:s0] =	ssyncset.done @!p0 $0x0  }
0x55: {  	[sflag:s0] =	ssyncadd.s32 @!p0 s1  }
0x56: {  	[bflag:$0x3] =	sbarrier.arrive $0xFFFF  }
0x57: {  	_ =	shalt  }

// kernel: sparse-core-data-format-call.cloned.1.call-start
scs
called_computation_lowered:
.L_overlay_start_0:
0x0: {  	s2 =	sld [smem:$0x3FD9]  }
0x1: {  	s3 =	sld [smem:$0x3FFE];
	_ =	sdelay $0x1  }
0x2: {  	s1 =	srdreg.scid  }
0x3: {  	s0 =	sand.u32 $0x1, s1  }
0x4: {  	s15 =	sshll.u32 s0, $0xA;
	s2 =	sadd.s32 s3, s2  }
0x5: {  	s2 =	sadd.s32 s2, s15  }
0x6: {  	[smem:$0x3FC1] =	sst s2  }
0x7: {  	_ = 	snop  }
0x8: {  	s2 =	sld [smem:$0x3FD0];
	_ =	sdelay $0x2  }
0x9: {  	s16 =	simm.s32 $0xA;
	s4 =	simm.s32 $0x10  }
0xa: {  	[smem:s4], [sflag:s16] =	dma.local [hbm:s2], $0x1  }
0xb: {  	_ =	swait.eq [sflag:s16], $0x1  }
0xc: {  	[sflag:s16] =	ssyncset.done $0x0  }
0xd: {  	[sflag:s16] =	ssyncadd.s32 $0xFFFFFFFF  }
0xe: {  	s17 =	sld [smem:$0x10];
	(tm) =	ssettm $0x1  }
0xf: {  	s18 =	sld [smem:$0x3FFB];
	_ =	sdelay $0x3  }
0x10: {  	_ =	strace s18  }
0x11: {  	s3 =	sld [smem:$0x3FFC];
	_ =	sdelay $0x3  }
0x12: {  	_ =	strace s3  }
0x13: {  	s3 =	sld [smem:$0x3FFD];
	_ =	sdelay $0x3  }
0x14: {  	_ =	strace s3  }
0x15: {  	_ =	strace $0x8FFFFFFF  }
0x16: {  	s19 =	sld [smem:$0x3FDB];
	_ =	sdelay $0x1  }
0x17: {  	s20 =	simm.s32 $_scs_section_size  }
0x18: {  	s5 =	simm.s32 $_size__tile_overlayer_lowered;
	s6 =	simm.s32 $_tile_overlayer_lowered  }
0x19: {  	s23 =	simm.s32 $0x1BFF;
	s22 =	sshll.u32 s6, $0x1;
	s3 =	sadd.s32 s20, s19  }
0x1a: {  	s7 =	simm.s32 $0x0;
	s21 =	sshll.u32 s5, $0x1;
	s5 =	sadd.s32 s22, s3  }
0x1b: {  	[timem:s7], [sflag:s23] =	dma.local [hbm:s5], s21  }
0x1c: {  	_ =	swait.ge [sflag:s23], s21  }
0x1d: {  	s4 =	ssub.s32 $0x0, s21;
	[sflag:s23] =	ssyncset.done $0x0  }
0x1e: {  	[sflag:s23] =	ssyncadd.s32 s4;
	_ =	sdelay $0x1  }
0x1f: {  	s24 =	simm.s32 $0x1B8B  }
0x20: {  	_ =	swait.ge [sflag:s24], $0x1  }
0x21: {  	[sflag:s24] =	ssyncset.done $0x0  }
0x22: {  	s26 =	simm.s32 $0x1B8E;
	s25 =	sld [smem:$0x3FFE];
	[sflag:s24] =	ssyncadd.s32 $0xFFFFFFFF  }
0x23: {  	s27 =	simm.s32 $execute0_lowered;
	[smem:$0x3FD2] =	sst s26  }
0x24: {  	s5 =	sshll.u32 s27, $0x1;
	_ =	strace $0x80000049;
	[dreg:$0x1] =	wrdreg $0xFFFFFFFF  }
0x25: {  	s28 =	simm.s32 $_size_execute0_lowered;
	s3 =	sadd.s32 s3, s5;
	[dreg:$0x0] =	wrdreg $0x0  }
0x26: {  	s5 =	sshll.u32 s28, $0x1;
	[dreg:$0x2] =	wrdreg s3  }
0x27: {  	[dreg:$0x3] =	wrdreg s5  }
0x28: {  	[dreg:$0x4] =	wrdreg $0xC0  }
0x29: {  	_ =	task [dreg:s7], $0x5FFFF  }
0x2a: {  	[dreg:$0x1] =	wrdreg $0xFFFFFFFF  }
0x2b: {  	[dreg:$0x0] =	wrdreg $0x60  }
0x2c: {  	[dreg:$0x2] =	wrdreg s25  }
0x2d: {  	[dreg:$0x3] =	wrdreg s17  }
0x2e: {  	[dreg:$0x4] =	wrdreg $0x9  }
0x2f: {  	_ =	task.clear_ibuf [dreg:s7], $0x5FFFF;
	_ =	strace $0x90000049  }
0x30: {  	s29 =	simm.s32 $0x9;
	_ =	strace $0x8000004B  }
0x31: {  	_ =	swait.ge [sflag:s29], $0x1  }
0x32: {  	[sflag:s29] =	ssyncadd.s32 $0xFFFFFFFF  }
0x33: {  	_ =	strace $0x9000004B  }
0x34: {  	_ =	sfence  }
0x35: {  	s30 =	sld [smem:$0x0];
	_ =	sdelay $0x2  }
0x36: {  	s31 =	sshll.u32 s1, $0xD;
	s1 =	sshrl.u32 s1, $0x2  }
0x37: {  	s3 =	sand.u32 $0x4000, s31;
	s1 =	sadd.s32 s1, s30  }
0x38: {  	s0 =	sor.u32 s3, s0;
	s1 =	sshll.u32 s1, $0x11  }
0x39: {  	s0 =	sor.u32 s1, s0  }
0x3a: {  	s0 =	sadd.s32 $0x8F2B, s0  }
0x3b: {  	[sflag:s0] =	ssyncadd.remote.s32 $0x1  }
0x3c: {  	_ =	sfence.sel $0xFFFF  }
0x3d: {  	[dreg:$0x0] =	wrdreg $0xFFFFFFFF;
	(pc) =	sbr.abs _section_cstart, $3  }
0x3e: {  	[dreg:$0x1] =	wrdreg $0xFFFFFFFF  }
0x3f: {  	_ =	task.clear_ibuf [dreg:s7], $0x2FFFF;
	_ =	strace $0x9FFFFFFF  }
0x40: {  	(tm) =	ssettm $0x7FFFFFFF  }
0x41: {  	_ =	shalt  }
tec
execute0_lowered:
.L_overlay_start_1:
0x0: {  	(tag) =	ssettag $0x1  }
0x1: {  	s0 =	srdreg.scid  }
0x2: {  	s1 =	sshll.u32 s0, $0x4  }
0x3: {  	s0 =	stileid.u32;
	s1 =	sand.u32 $0x10, s1  }
0x4: {  	s1 =	sor.u32 s0, s1  }
0x5: {  	s6 =	rddreg [dreg:$0x0];
	s4 =	simm.s32 $0x1;
	s2 =	sshll.u32 s1, $0x7  }
0x6: {  	s7 =	simm.s32 $0x2;
	s12 =	simm.s32 $0x0;
	s1 =	ssub.s32 $0x1000, s2  }
0x7: {  	s8 =	simm.s32 $0x8000;
	s13 =	simm.s32 $0x0;
	s3 =	sand.u32 $0xF80, s1  }
0x8: {  	s9 =	simm.s32 $0x0;
	s5 =	sshrl.u32 s1, $0xC;
	p0 =	sne.s32 s3, $0x0  }
.Ltmp0:
0x9: {  	s1 =	rddreg [dreg:$0x2];
	s4 =	simm.s32 @!p0 $0x0;
	(pc) =	sbr.rel .LBB1_1-.Ltmp0, $4  }
0xa: {  	s11 =	simm.s32 $0x0;
	s3 =	rddreg [dreg:$0x1];
	s5 =	sadd.s32 s4, s5  }
0xb: {  	_ =	strace $0x8000004A;
	s4 =	simm.s32 $0x1;
	s5 =	smul.u32 $0xC8, s5  }
0xc: {  	s6 =	sadd.s32 $0x1400, s6;
	s10 =	smov.u32 s2;
	[sflag:s4] =	ssyncpa.u1 $0x0  }
0xd: {  	p0 =	por $0x0, $0x0;
	[sflag:s7] =	ssyncpa.u1 $0x0;
	s7 =	sor.u32 $0x1, s5  }
.LBB1_4:
0xe: {  	s16 =	sshll.u32 s13, $0x3;
	s17 =	sand.u32 $0x78, s13  }
0xf: {  	s30 =	sand.u32 $0x7E00, s13;
	s12 =	sshll.u32 s12, $0xF;
	s16 =	sand.u32 $0xC00, s16  }
0x10: {  	[tilespmem:s15+$0x810 ss:$0x81] =	vst.msk $0xffff, v2;
	s31 =	sand.u32 $0x7, s13;
	s16 =	sor.u32 s17, s16;
	s17 =	sadd.s32 s3, s30  }
0x11: {  	[tilespmem:s15+$0x1020 ss:$0x81] =	vst.msk $0xffff, v0;
	s13 =	sshll.u32 s31, $0x12;
	s12 =	sadd.s32 s12, s17;
	s16 =	sshrl.u32 s16, $0x3  }
0x12: {  	[tilespmem:s15+$0x0 ss:$0x81] =	vst.msk $0xffff, v1;
	s13 =	sor.u32 $0x400, s13;
	s12 =	sadd.s32 s16, s12  }
0x13: {  	[hbm4b:s12+s13] =	stream.strided.scatter [tilespmem:s14], [sflag:$0x2], $0x2000, s8, s13, $0x20;
	[tilespmem:$0x8080] =	vst v63  }
.LBB1_5:
0x14: {  	s14 =	sadd.s32 $0x1, s9  }
0x15: {  	s12 =	sadd.s32 $0x1000, s10;
	s16 =	smov.u32 s10;
	p2 =	sgt.s32 s14, $0xC7  }
0x16: {  	s16 =	smov.u32 @p2 s12  }
0x17: {  	s14 =	simm.s32 @p2 $0x0;
	p2 =	sgt.s32 s16, $0xFFF  }
0x18: {  	s16 =	smov.u32 @p2 s2;
	p2 =	sne.s32 s11, s7  }
.Ltmp1:
0x19: {  	p1 =	slt.u32 s11, $0x2;
	(pc) =	sbr.rel @!p2 .LBB1_6-.Ltmp1, $4  }
0x1a: {  	s15 =	simm.s32 @!p1 $0x2  }
0x1b: {  	s13 =	smov.u32 s10;
	p0 =	por !p0, !p0;
	_ =	swait.ge @!p1 [sflag:s15], $0x2000  }
0x1c: {  	s12 =	smov.u32 s9;
	[sflag:s15] =	ssyncset.done @!p1 $0x0;
	s9 =	smov.u32 s14  }
0x1d: {  	s11 =	sadd.s32 $0x1, s11;
	[sflag:s15] =	ssyncadd.s32 @!p1 $0xFFFFE000;
	s10 =	smov.u32 s16  }
.LBB1_1:
0x1e: {  	p1 =	sge.u32 s11, s5  }
0x1f: {  	s14 =	sand.u32 @!p1 $0x1FFFFFF, s9  }
0x20: {  	s15 =	smulhi.u32 @!p1 $0x147AE15, s14;
	_ =	sdelay $0x1  }
0x21: {  	s15 =	smul.u32 @!p1 $0xC8, s15  }
0x22: {  	s16 =	sxor.u32 @!p1 $0xFFFFFFFF, s11;
	s17 =	smul.u32 @!p1 $0xC80, s10  }
0x23: {  	s31 =	sadd.s32 $0xFFFFFFFF, s11;
	s16 =	sshll.u32 @!p1 s16, $0xD;
	s14 =	ssub.s32 @!p1 s14, s15  }
0x24: {  	s15 =	sand.u32 @!p1 $0x2000, s16;
	s16 =	sadd.s32 @!p1 s6, s17;
	s14 =	sshll.u32 @!p1 s14, $0x4  }
0x25: {  	s17 =	simm.s32 @!p1 $0x6400;
	s14 =	sadd.s32 @!p1 s14, s16;
	s16 =	simm.s32 @!p1 $0x40  }
0x26: {  	[tilespmem:s15], [sflag:$0x1] =	stream.strided.gather @!p1 [hbm4b:s14+s16], $0x2000, s17, s16, $0x38;
	[tilespmem:$0x8080] =	vst v63  }
0x27: {  	p1 =	sge.u32 s31, s5  }
.Ltmp2:
0x28: {  	_ = 	snop;
	(pc) =	sbr.rel @p1 .LBB1_5-.Ltmp2, $1  }
0x29: {  	_ =	sdelay $0x3  }
0x2a: {  	s14 =	simm.s32 $0x1  }
0x2b: {  	_ =	swait.ge [sflag:s4], $0x2000;
	s14 =	simm.s32 @!p0 $0x0  }
0x2c: {  	[sflag:s4] =	ssyncset.done $0x0;
	s15 =	sshll.u32 s14, $0xD  }
0x2d: {  	[sflag:s4] =	ssyncadd.s32 $0xFFFFE000;
	s18 =	sor.u32 $0x20, s15  }
0x2e: {  	s14 =	smul.u32 $0x8100, s14;
	v3 =	vld [tilespmem:s18+$0x10]  }
0x2f: {  	s30 =	sand.u32 $0x1, s11;
	v2 =	vld [tilespmem:s18+$0xFFFFFFF0]  }
0x30: {  	s15 =	smul.u32 $0x8100, s30;
	s14 =	sshrl.u32 s14, $0x2;
	v0 =	vld [tilespmem:s18+$0x0]  }
0x31: {  	v1 =	vld [tilespmem:s18+$0xFFFFFFE0];
	s16 =	sor.u32 $0x4000, s14  }
0x32: {  	s31 =	sshrl.u32 s15, $0x2;
	s15 =	sadd.s32 $0x0, s16  }
0x33: {  	s17 =	simm.s32 $0x4;
	s18 =	sadd.s32 $0x40, s18;
	s14 =	sor.u32 $0x4000, s31;
	[tilespmem:s15+$0x1830 ss:$0x81] =	vst.msk $0xffff, v3  }
.LBB1_3:
0x34: {  	v3 =	vld [tilespmem:s18+$0x10];
	p1 =	sne.s32 s17, $0x1FC;
	[tilespmem:s15+$0x810 ss:$0x81] =	vst.msk $0xffff, v2;
	s19 =	smov.u32 s17;
	s17 =	sadd.s32 $0x4, s17  }
.Ltmp3:
0x35: {  	v2 =	vld [tilespmem:s18+$0xFFFFFFF0];
	[tilespmem:s15+$0x1020 ss:$0x81] =	vst.msk $0xffff, v0;
	(pc) =	sbr.rel @p1 .LBB1_3-.Ltmp3, $4  }
0x36: {  	v0 =	vld [tilespmem:s18+$0x0];
	[tilespmem:s15+$0x0 ss:$0x81] =	vst.msk $0xffff, v1  }
0x37: {  	s15 =	sshra.s32 s19, $0x2;
	v1 =	vld [tilespmem:s18+$0xFFFFFFE0]  }
0x38: {  	s15 =	sadd.s32 s15, s16  }
0x39: {  	s18 =	sadd.s32 $0x40, s18;
	[tilespmem:s15+$0x1830 ss:$0x81] =	vst.msk $0xffff, v3  }
.Ltmp4:
0x3a: {  	_ = 	snop;
	(pc) =	sbr.rel .LBB1_4-.Ltmp4, $1  }
0x3b: {  	_ =	sdelay $0x3  }
.LBB1_6:
0x3c: {  	_ =	sfence.sel $0x180000  }
0x3d: {  	s2 =	simm.s32 $0x1;
	[bflag:$0x0] =	sbarrier.arrive $0xFFFF  }
0x3e: {  	s31 =	simm.s32 $0x2;
	[sflag:s2] =	ssyncpa.u1 $0x1  }
0x3f: {  	[sflag:s31] =	ssyncpa.u1 $0x1  }
0x40: {  	p0 =	sne.s32 s0, $0x0;
	_ =	strace $0x9000004A  }
0x41: {  	s0 =	sadd.s32 @!p0 $0x100000, s1;
	[bflag:$0x2] =	sbarrier.arrive $0xFFFF  }
0x42: {  	[sflag:s0] =	ssyncadd.tile.s32 @!p0 $0x1;
	_ =	shalt  }
.Lfunc_end1:
_tile_overlayer_lowered:
.L_overlay_start_2:
0x43: {  	(tag) =	ssettag $0x2  }
0x44: {  	s0 =	rddreg [dreg:$0x0];
	s2 =	stileid.u32  }
0x45: {  	s1 =	rddreg [dreg:$0x1];
	p0 =	sne.s32 s2, $0x0  }
0x46: {  	s3 =	rddreg [dreg:$0x2];
	[bflag:$0x3] =	sbarrier.arrive $0xFFFF;
	s2 =	simm.s32 @!p0 $0x1C01  }
0x47: {  	[timem:s3], [sflag:s2] =	dma.local @!p0 [hbm:s0], s1  }
0x48: {  	s0 =	simm.s32 @!p0 $0x1  }
0x49: {  	_ =	swait.ge @!p0 [sflag:s0], s1  }
0x4a: {  	s1 =	ssub.s32 @!p0 $0x0, s1;
	[sflag:s0] =	ssyncset.done @!p0 $0x0  }
0x4b: {  	[sflag:s0] =	ssyncadd.s32 @!p0 s1  }
0x4c: {  	[bflag:$0x3] =	sbarrier.arrive $0xFFFF  }
0x4d: {  	_ =	shalt  }

</sc_bundles>
